<compile_context>
chip_gen: v7x
topology: tpu7x:2x2x1
jax: 0.10.2.dev20260603
libtpu: 0.0.44.dev20260713+nightly
codegen_flags: <defaults>
</compile_context>

<pallas_src>
import functools

import jax
import jax.numpy as jnp
from jax.experimental import pallas as pl

K_NEIGHBORS = 75
N_CLASSES = 10

QB = 256
NBLK = 4096


def _matmul_body(q_ref, ta_ref, s_ref, *, n_total):
    qn = q_ref[...]
    tn = ta_ref[...]
    s = jax.lax.dot_general(qn, tn, (((1,), (1,)), ((), ())),
                            preferred_element_type=jnp.float32)
    j = pl.program_id(1)
    col = j * NBLK + jax.lax.broadcasted_iota(jnp.int32, s.shape, 1)
    s_ref[...] = jnp.where(col < n_total, s, -2.0)


def _similarities(queries, train_activations):
    n = train_activations.shape[0]
    npad = ((n + NBLK - 1) // NBLK) * NBLK
    ta = jnp.pad(train_activations, ((0, npad - n), (0, 0)))
    qshape = queries.shape
    grid = (qshape[0] // QB, npad // NBLK)
    s = pl.pallas_call(
        functools.partial(_matmul_body, n_total=n),
        grid=grid,
        in_specs=[
            pl.BlockSpec((QB, qshape[1]), lambda i, j: (i, 0)),
            pl.BlockSpec((NBLK, qshape[1]), lambda i, j: (j, 0)),
        ],
        out_specs=pl.BlockSpec((QB, NBLK), lambda i, j: (i, j)),
        out_shape=jax.ShapeDtypeStruct((qshape[0], npad), jnp.float32),
    )(queries, ta)
    return s


def kernel(queries, train_activations, train_labels, cali_nonconformity):
    ta = train_activations / jnp.linalg.norm(train_activations, axis=1,
                                             keepdims=True)
    center = jnp.mean(ta, axis=0)
    ta = ta - center
    q = queries / jnp.linalg.norm(queries, axis=1, keepdims=True)
    q = q - center
    s = _similarities(q, ta)
    d2 = (jnp.sum(q * q, axis=1, keepdims=True) - 2.0 * s[:, :ta.shape[0]]
          + jnp.sum(ta * ta, axis=1)[None, :])
    _, knn_ind = jax.lax.top_k(-d2, K_NEIGHBORS)
    knn_labels = jnp.take(train_labels, knn_ind, axis=0)
    knns_in_class = jnp.sum(
        jax.nn.one_hot(knn_labels, N_CLASSES, dtype=jnp.int32), axis=1)
    knns_not_in_class = K_NEIGHBORS - knns_in_class
    nb_cali = cali_nonconformity.shape[0]
    pos = jnp.searchsorted(cali_nonconformity, knns_not_in_class, side="left")
    p_value = (float(nb_cali) - pos.astype(jnp.float32)) / float(nb_cali)
    preds_knn = jnp.argmax(p_value, axis=1)
    sorted_p = jnp.sort(p_value, axis=1)
    second_largest = sorted_p[:, -2]
    pred_oh = jax.nn.one_hot(preds_knn, N_CLASSES, dtype=jnp.float32)
    creds = pred_oh * jnp.take_along_axis(p_value, preds_knn[:, None], axis=1)
    del second_largest
    return creds

# --- scband reference (transcript-rebuilt; emitter-appended) ---
"""Pipeline reference for scband-dk-nnmodel-2894807958249 (READ-ONLY COPY).

The authoritative reference and input builder live on the scoring server;
editing this copy changes nothing except your own understanding.
"""

import jax, jax.numpy as jnp
import numpy as np

NEIGHBORS = 75
NB_CLASSES = 10


def setup_inputs(seed: int = 0) -> dict:
    key = jax.random.key(seed)
    k1, k2, k3, k4 = jax.random.split(key, 4)
    queries = jax.random.normal(k1, (1024, 128), dtype=jnp.float32)
    train_activations = jax.random.normal(k2, (100000, 128), dtype=jnp.float32)
    train_labels = jax.random.randint(k3, (100000,), 0, NB_CLASSES, dtype=jnp.int32)
    cali_nonconformity = jnp.sort(
        jax.random.randint(k4, (1000,), 0, NEIGHBORS + 1, dtype=jnp.int32)
    )
    return {
        "queries": queries,
        "train_activations": train_activations,
        "train_labels": train_labels,
        "cali_nonconformity": cali_nonconformity,
    }


def reference(queries, train_activations, train_labels, cali_nonconformity):
    # --- init_lsh: normalize train activations, subtract center ---
    ta = train_activations / jnp.linalg.norm(train_activations, axis=1, keepdims=True)
    center = jnp.mean(ta, axis=0)
    ta = ta - center

    # --- find_train_knns: normalize + center queries, exact kNN
    # (faithful replacement of FALCONN LSH with exact EuclideanSquared NN) ---
    q = queries / jnp.linalg.norm(queries, axis=1, keepdims=True)
    q = q - center
    d2 = (
        jnp.sum(q * q, axis=1, keepdims=True)
        - 2.0 * (q @ ta.T)
        + jnp.sum(ta * ta, axis=1)[None, :]
    )  # [Q, N] squared euclidean distances
    _, knn_ind = jax.lax.top_k(-d2, NEIGHBORS)  # [Q, k]
    knn_labels = jnp.take(train_labels, knn_ind, axis=0)  # [Q, k]

    # --- nonconformity: per-class bincount of knn labels ---
    knns_in_class = jnp.sum(
        jax.nn.one_hot(knn_labels, NB_CLASSES, dtype=jnp.int32), axis=1
    )  # [Q, C]
    total = jnp.sum(knns_in_class, axis=1, keepdims=True)  # == NEIGHBORS
    knns_not_in_class = total - knns_in_class  # [Q, C]

    # --- preds_conf_cred: conformal p-values via bisect_left on sorted calibration scores ---
    nb_cali = cali_nonconformity.shape[0]
    pos = jnp.searchsorted(cali_nonconformity, knns_not_in_class, side="left")
    p_value = (float(nb_cali) - pos.astype(jnp.float32)) / float(nb_cali)  # [Q, C]
    preds_knn = jnp.argmax(p_value, axis=1)  # [Q]
    sorted_p = jnp.sort(p_value, axis=1)
    second_largest = sorted_p[:, -2]
    pred_oh = jax.nn.one_hot(preds_knn, NB_CLASSES, dtype=jnp.float32)
    confs = pred_oh * (1.0 - second_largest)[:, None]
    creds = pred_oh * jnp.take_along_axis(p_value, preds_knn[:, None], axis=1)
    # fprop_np returns creds (the DkNN 'logits')
    return creds

if __name__ == "__main__":
    import jax
    _d = setup_inputs()
    print(jax.jit(kernel)(*tuple(_d.values())))

</pallas_src>

<mosaic_0001>
module attributes {stable_mosaic.version = 14 : i64} {
  func.func @_matmul_body(%arg0: i32, %arg1: i32, %arg2: memref<256x128xf32, #tpu.memory_space<vmem>>, %arg3: memref<4096x128xf32, #tpu.memory_space<vmem>>, %arg4: memref<256x4096xf32, #tpu.memory_space<vmem>>) attributes {dimension_semantics = [#tpu.dimension_semantics<arbitrary>, #tpu.dimension_semantics<arbitrary>], iteration_bounds = array<i64: 4, 25>, scalar_prefetch = 0 : i64, scratch_operands = 0 : i64, tpu.core_type = #tpu.core_type<tc>, window_params = [{transform_indices = @transform_0, window_bounds = array<i64: 256, 128>}, {transform_indices = @transform_1, window_bounds = array<i64: 4096, 128>}, {transform_indices = @transform_2, window_bounds = array<i64: 256, 4096>}]} {
    %get3A = arith.constant 0 : index
    %get3A_0 = arith.constant 0 : index
    %get3A_1 = vector.load %arg2[%get3A, %get3A_0] : memref<256x128xf32, #tpu.memory_space<vmem>>, vector<256x128xf32>
    %get3A_2 = arith.constant 0 : index
    %get3A_3 = arith.constant 0 : index
    %get3A_4 = vector.load %arg3[%get3A_2, %get3A_3] : memref<4096x128xf32, #tpu.memory_space<vmem>>, vector<4096x128xf32>
    %dot_general3A = arith.constant dense<0.000000e+00> : vector<256x4096xf32>
    %dot_general3A_5 = tpu.matmul %get3A_1, %get3A_4, %dot_general3A {dimension_numbers = #tpu.dot_dimension_numbers<[1], [1], [0], [0], [0, 0, 1, 0], [], []>, transpose_lhs_hint = false} : vector<256x128xf32>, vector<4096x128xf32>, vector<256x4096xf32> -> vector<256x4096xf32>
    %mul3A = arith.constant 4096 : i32
    %mul3A_6 = arith.muli %arg1, %mul3A : i32
    %iota3A = tpu.iota {dimensions = array<i32: 1>} : vector<256x4096xi32>
    %add3A = vector.broadcast %mul3A_6 : i32 to vector<256x4096xi32>
    %add3A_7 = arith.addi %add3A, %iota3A : vector<256x4096xi32>
    %lt3A = arith.constant 100000 : i32
    %lt3A_8 = vector.broadcast %lt3A : i32 to vector<256x4096xi32>
    %lt3A_9 = arith.cmpi slt, %add3A_7, %lt3A_8 : vector<256x4096xi32>
    %jit3A = arith.constant -2.000000e+00 : f32
    %broadcast_in_dim3A = vector.broadcast %jit3A : f32 to vector<256x4096xf32>
    %select_n3A = arith.select %lt3A_9, %dot_general3A_5, %broadcast_in_dim3A : vector<256x4096xi1>, vector<256x4096xf32>
    %swap3A = arith.constant 0 : index
    %swap3A_10 = arith.constant 0 : index
    %swap3A_11 = vector.load %arg4[%swap3A, %swap3A_10] : memref<256x4096xf32, #tpu.memory_space<vmem>>, vector<256x4096xf32>
    tpu.vector_store %arg4[%swap3A, %swap3A_10], %select_n3A {strides = array<i32>} : memref<256x4096xf32, #tpu.memory_space<vmem>>, vector<256x4096xf32>,
    return
  }
  func.func @transform_0(%arg0: i32, %arg1: i32) -> (i32, i32) {
    %c0_i32 = arith.constant 0 : i32
    %c0_i32_0 = arith.constant 0 : i32
    return %arg0, %c0_i32 : i32, i32
  }
  func.func @transform_1(%arg0: i32, %arg1: i32) -> (i32, i32) {
    %c0_i32 = arith.constant 0 : i32
    %c0_i32_0 = arith.constant 0 : i32
    return %arg1, %c0_i32 : i32, i32
  }
  func.func @transform_2(%arg0: i32, %arg1: i32) -> (i32, i32) {
    %c0_i32 = arith.constant 0 : i32
    return %arg0, %arg1 : i32, i32
  }
}

</mosaic_0001>

<sc_bundles>
// kernel: gather_offload_async_start
scs
__scs_entry_jumppad:
0x0: {  	(pc) =	sbr.rel $0x88, $3  }
0x1: {  	(tag) =	ssettag $0x0;
	lr =	simm.s32 $0x1  }
0x2: {  	[smem:$0x3F9D] =	sst lr;
	_ =	strace $0xD0000000  }
0x3: {  	_ = 	snop  }
0x4: {  	_ = 	snop  }
0x5: {  	_ = 	snop  }
0x6: {  	_ = 	snop  }
0x7: {  	_ = 	snop  }
__scs_overlays_trampoline_lowered:
0x8: {  	[smem:$0x3FAC] =	sst s0  }
0x9: {  	[smem:$0x3FAD] =	sst s1  }
0xa: {  	[smem:$0x3FAE] =	sst s2  }
0xb: {  	[smem:$0x3FAF] =	sst s3  }
0xc: {  	[smem:$0x3FB0] =	sst s4  }
0xd: {  	[smem:$0x3FB1] =	sst s5  }
0xe: {  	[smem:$0x3FB2] =	sst s6  }
0xf: {  	[smem:$0x3FB3] =	sst s7  }
0x10: {  	[smem:$0x3FB4] =	sst s8  }
0x11: {  	[smem:$0x3FB5] =	sst s9;
	s0 =	simm.s32 @!p0 $0x0  }
0x12: {  	s1 =	sld [smem:$0x3F9B];
	s0 =	simm.s32 @p0 $0x1  }
0x13: {  	[smem:$0x3FB6] =	sst s0;
	s0 =	simm.s32 @!p1 $0x0  }
0x14: {  	s2 =	sld [smem:$0x3F9A];
	s0 =	simm.s32 @p1 $0x1  }
0x15: {  	[smem:$0x3FB7] =	sst s0;
	s0 =	simm.s32 @!p2 $0x0  }
0x16: {  	s3 =	sld [smem:$0x3FDB];
	s0 =	simm.s32 @p2 $0x1  }
0x17: {  	s4 =	simm.s32 $0x1BF5;
	[smem:$0x3FB9] =	sst s0  }
0x18: {  	s0 =	sld [smem:$0x3F9C];
	_ =	swait.ge [sflag:s4], $0x0  }
0x19: {  	s7 =	sld [smem:$0x3F9D]  }
0x1a: {  	s8 =	sadd.s32 $0xFFFFE003, lr  }
0x1b: {  	s9 =	sadd.s32 $0xFFFFFEF7, lr;
	s5 =	simm.s32 $0xFFFFFFFF;
	p2 =	slt.u32 s8, $0xFFFFF086  }
0x1c: {  	p1 =	slt.u32 s9, $0xF7A;
	s5 =	simm.s32 @!p2 $0x0  }
0x1d: {  	s5 =	simm.s32 @p1 $0x1;
	p0 =	seq.s32 s7, s2  }
0x1e: {  	s7 =	smul.u32 @!p0 $0xF7A, s2;
	p2 =	seq.s32 @!p0 s5, $0x0  }
0x1f: {  	s9 =	smul.u32 $0xF7A, s1;
	s8 =	simm.s32 @!p0 $0x1BF5;
	p2 =	por !p2, p0  }
0x20: {  	[sflag:s8] =	ssyncset.s32 @!p0 $0xFFFFF086;
	s6 =	sadd.s32 @!p0 s3, s7;
	s7 =	simm.s32 @!p0 $0x108  }
0x21: {  	s3 =	sadd.s32 s3, s9;
	s6 =	sadd.s32 @!p0 $0x88, s6;
	s7 =	simm.s32 @p2 $0x1082  }
0x22: {  	[simem:s7], [sflag:s8] =	dma.local @!p0 [hbm:s6], $0xF7A  }
0x23: {  	s9 =	sor.u32 $0xD0000000, s2;
	s6 =	simm.s32 $0x108;
	_ =	swait.ge @!p0 [sflag:s8], $0x0  }
0x24: {  	s3 =	sadd.s32 $0x88, s3;
	s6 =	simm.s32 @!p1 $0x1082;
	[sflag:s4] =	ssyncset.s32 $0xFFFFF086  }
0x25: {  	[simem:s6], [sflag:s4] =	dma.local [hbm:s3], $0xF7A  }
0x26: {  	[smem:$0x3F9D] =	sst s1;
	(tag) =	ssettag s2;
	_ =	strace s9  }
0x27: {  	s1 =	sld [smem:$0x3FAD]  }
0x28: {  	s2 =	sld [smem:$0x3FAE]  }
0x29: {  	s4 =	sld [smem:$0x3FB0]  }
0x2a: {  	p0 =	seq.s32 s5, $0x0;
	s5 =	sld [smem:$0x3FB1]  }
0x2b: {  	s6 =	sld [smem:$0x3FB2]  }
0x2c: {  	s7 =	sld [smem:$0x3FB3]  }
0x2d: {  	s3 =	simm.s32 $0x108;
	s8 =	sld [smem:$0x3FB4]  }
0x2e: {  	s3 =	simm.s32 @!p0 $0x1082;
	s9 =	sld [smem:$0x3FB5]  }
0x2f: {  	lr =	sadd.s32 s0, s3;
	s0 =	sld [smem:$0x3FAC]  }
0x30: {  	s3 =	sld [smem:$0x3FAF]  }
0x31: {  	[smem:$0x3FB8] =	sst s10  }
0x32: {  	s10 =	sld [smem:$0x3FB6];
	_ =	sdelay $0x3  }
0x33: {  	p0 =	seq.s32 s10, $0x1;
	s10 =	sld [smem:$0x3FB8];
	_ =	sdelay $0x3  }
0x34: {  	[smem:$0x3FB8] =	sst s10  }
0x35: {  	s10 =	sld [smem:$0x3FB7];
	_ =	sdelay $0x3  }
0x36: {  	p1 =	seq.s32 s10, $0x1;
	s10 =	sld [smem:$0x3FB8];
	_ =	sdelay $0x3  }
0x37: {  	[smem:$0x3FB8] =	sst s10  }
0x38: {  	s10 =	sld [smem:$0x3FB9]  }
0x39: {  	_ = 	snop;
	(pc) =	sbr.ind lr, $3  }
0x3a: {  	_ = 	snop  }
0x3b: {  	_ = 	snop  }
0x3c: {  	p2 =	seq.s32 s10, $0x1;
	s10 =	sld [smem:$0x3FB8]  }
0x3d: {  	_ =	shalt  }
0x3e: {  	_ =	shalt  }
0x3f: {  	_ =	shalt  }
0x40: {  	_ =	shalt  }
0x41: {  	_ =	shalt  }
0x42: {  	_ =	shalt  }
0x43: {  	_ =	shalt  }
0x44: {  	_ =	shalt  }
0x45: {  	_ =	shalt  }
0x46: {  	_ =	shalt  }
0x47: {  	_ =	shalt  }
0x48: {  	_ =	shalt  }
0x49: {  	_ =	shalt  }
0x4a: {  	_ =	shalt  }
0x4b: {  	_ =	shalt  }
0x4c: {  	_ =	shalt  }
0x4d: {  	_ =	shalt  }
0x4e: {  	_ =	shalt  }
0x4f: {  	_ =	shalt  }
0x50: {  	_ =	shalt  }
0x51: {  	_ =	shalt  }
0x52: {  	_ =	shalt  }
0x53: {  	_ =	shalt  }
0x54: {  	_ =	shalt  }
0x55: {  	_ =	shalt  }
0x56: {  	_ =	shalt  }
0x57: {  	_ =	shalt  }
0x58: {  	_ =	shalt  }
0x59: {  	_ =	shalt  }
0x5a: {  	_ =	shalt  }
0x5b: {  	_ =	shalt  }
0x5c: {  	_ =	shalt  }
0x5d: {  	_ =	shalt  }
0x5e: {  	_ =	shalt  }
0x5f: {  	_ =	shalt  }
0x60: {  	_ =	shalt  }
0x61: {  	_ =	shalt  }
0x62: {  	_ =	shalt  }
0x63: {  	_ =	shalt  }
0x64: {  	_ =	shalt  }
0x65: {  	_ =	shalt  }
0x66: {  	_ =	shalt  }
0x67: {  	_ =	shalt  }
0x68: {  	_ =	shalt  }
0x69: {  	_ =	shalt  }
0x6a: {  	_ =	shalt  }
0x6b: {  	_ =	shalt  }
0x6c: {  	_ =	shalt  }
0x6d: {  	_ =	shalt  }
0x6e: {  	_ =	shalt  }
0x6f: {  	_ =	shalt  }
0x70: {  	_ =	shalt  }
0x71: {  	_ =	shalt  }
0x72: {  	_ =	shalt  }
0x73: {  	_ =	shalt  }
0x74: {  	_ =	shalt  }
0x75: {  	_ =	shalt  }
0x76: {  	_ =	shalt  }
0x77: {  	_ =	shalt  }
0x78: {  	_ =	shalt  }
0x79: {  	_ =	shalt  }
0x7a: {  	_ =	shalt  }
0x7b: {  	_ =	shalt  }
0x7c: {  	_ =	shalt  }
0x7d: {  	_ =	shalt  }
0x7e: {  	_ =	shalt  }
0x7f: {  	_ =	shalt  }
0x80: {  	_ =	shalt  }
0x81: {  	_ =	shalt  }
0x82: {  	_ =	shalt  }
0x83: {  	_ =	shalt  }
0x84: {  	_ =	shalt  }
0x85: {  	_ =	shalt  }
0x86: {  	_ =	shalt  }
0x87: {  	_ =	shalt  }
.Lfunc_end0:
.L_simem_size_0:
called_computation_lowered:
.L_overlay_start_0:
0x88: {  	s2 =	sld [smem:$0x3FD9]  }
0x89: {  	s3 =	sld [smem:$0x3FFE];
	_ =	sdelay $0x1  }
0x8a: {  	s1 =	srdreg.scid  }
0x8b: {  	s0 =	sand.u32 $0x1, s1  }
0x8c: {  	s17 =	sshll.u32 s0, $0xA;
	s2 =	sadd.s32 s3, s2  }
0x8d: {  	s2 =	sadd.s32 s2, s17  }
0x8e: {  	[smem:$0x3FC4] =	sst s2  }
0x8f: {  	_ = 	snop  }
0x90: {  	s2 =	sld [smem:$0x3FC7];
	(tm) =	ssettm $0x1  }
0x91: {  	s18 =	sld [smem:$0x3FFB];
	_ =	sdelay $0x3  }
0x92: {  	_ =	strace s18  }
0x93: {  	s3 =	sld [smem:$0x3FFC];
	_ =	sdelay $0x3  }
0x94: {  	_ =	strace s3  }
0x95: {  	s3 =	sld [smem:$0x3FFD];
	_ =	sdelay $0x3  }
0x96: {  	_ =	strace s3  }
0x97: {  	_ =	strace $0x8FFFFFFF  }
0x98: {  	s19 =	sld [smem:$0x3FDB];
	_ =	sdelay $0x1  }
0x99: {  	s4 =	simm.s32 $_scs_section_size  }
0x9a: {  	s5 =	simm.s32 $_size__tile_overlayer_lowered;
	s6 =	simm.s32 $_tile_overlayer_lowered  }
0x9b: {  	s22 =	simm.s32 $0x1BFF;
	s21 =	sshll.u32 s6, $0x1;
	s3 =	sadd.s32 s4, s19  }
0x9c: {  	s7 =	simm.s32 $0x0;
	s20 =	sshll.u32 s5, $0x1;
	s5 =	sadd.s32 s21, s3  }
0x9d: {  	[timem:s7], [sflag:s22] =	dma.local [hbm:s5], s20  }
0x9e: {  	_ =	swait.ge [sflag:s22], s20  }
0x9f: {  	s4 =	ssub.s32 $0x0, s20;
	[sflag:s22] =	ssyncset.done $0x0  }
0xa0: {  	[sflag:s22] =	ssyncadd.s32 s4;
	_ =	sdelay $0x1  }
0xa1: {  	s23 =	simm.s32 $0x1B8B  }
0xa2: {  	_ =	swait.ge [sflag:s23], $0x1  }
0xa3: {  	[sflag:s23] =	ssyncset.done $0x0  }
0xa4: {  	s25 =	simm.s32 $0x1B8E;
	s24 =	sld [smem:$0x3FFE];
	[sflag:s23] =	ssyncadd.s32 $0xFFFFFFFF  }
0xa5: {  	s26 =	simm.s32 $execute0_lowered;
	[smem:$0x3FD2] =	sst s25  }
0xa6: {  	s5 =	sshll.u32 s26, $0x1;
	_ =	strace $0x80000046;
	[dreg:$0x1] =	wrdreg $0xFFFFFFFF  }
0xa7: {  	s28 =	simm.s32 $_size_execute0_lowered;
	s3 =	sadd.s32 s3, s5;
	[dreg:$0x0] =	wrdreg $0x0  }
0xa8: {  	s5 =	sshll.u32 s28, $0x1;
	[dreg:$0x2] =	wrdreg s3  }
0xa9: {  	[dreg:$0x3] =	wrdreg s5  }
0xaa: {  	[dreg:$0x4] =	wrdreg $0xC0  }
0xab: {  	_ =	task [dreg:s7], $0x5FFFF  }
0xac: {  	[dreg:$0x1] =	wrdreg $0xFFFFFFFF  }
0xad: {  	[dreg:$0x0] =	wrdreg $0x60  }
0xae: {  	[dreg:$0x2] =	wrdreg s2  }
0xaf: {  	[dreg:$0x3] =	wrdreg s24  }
0xb0: {  	[dreg:$0x4] =	wrdreg $0x9  }
0xb1: {  	_ =	task.clear_ibuf [dreg:s7], $0x5FFFF;
	_ =	strace $0x90000046  }
0xb2: {  	s29 =	simm.s32 $0x9;
	_ =	strace $0x80000048  }
0xb3: {  	_ =	swait.ge [sflag:s29], $0x1  }
0xb4: {  	[sflag:s29] =	ssyncadd.s32 $0xFFFFFFFF  }
0xb5: {  	_ =	strace $0x90000048  }
0xb6: {  	_ =	sfence  }
0xb7: {  	s30 =	sld [smem:$0x0];
	_ =	sdelay $0x2  }
0xb8: {  	s31 =	sshll.u32 s1, $0xD;
	s1 =	sshrl.u32 s1, $0x2  }
0xb9: {  	s3 =	sand.u32 $0x4000, s31;
	s1 =	sadd.s32 s1, s30  }
0xba: {  	s0 =	sor.u32 s3, s0;
	s1 =	sshll.u32 s1, $0x11  }
0xbb: {  	s0 =	sor.u32 s1, s0  }
0xbc: {  	s0 =	sadd.s32 $0x8F2B, s0  }
0xbd: {  	[sflag:s0] =	ssyncadd.remote.s32 $0x1  }
0xbe: {  	_ =	sfence.sel $0xFFFF  }
0xbf: {  	[dreg:$0x0] =	wrdreg $0xFFFFFFFF;
	(pc) =	sbr.abs _section_cstart, $3  }
0xc0: {  	[dreg:$0x1] =	wrdreg $0xFFFFFFFF  }
0xc1: {  	_ =	task.clear_ibuf [dreg:s7], $0x2FFFF;
	_ =	strace $0x9FFFFFFF  }
0xc2: {  	(tm) =	ssettm $0x7FFFFFFF  }
0xc3: {  	_ =	shalt  }
tec
execute0_lowered:
.L_overlay_start_1:
0x0: {  	(tag) =	ssettag $0x1  }
0x1: {  	s2 =	rddreg [dreg:$0x0]  }
0x2: {  	s8 =	rddreg [dreg:$0x1]  }
0x3: {  	s0 =	rddreg [dreg:$0x2];
	s1 =	stileid.u32  }
0x4: {  	s3 =	srdreg.scid;
	_ =	strace $0x80000047;
	s4 =	simm.s32 $0x1  }
0x5: {  	s7 =	simm.s32 $0x1;
	s9 =	simm.s32 $0x1;
	s10 =	simm.s32 $0x3  }
0x6: {  	s13 =	simm.s32 $0x0;
	s5 =	sand.u32 $0x1, s3;
	s6 =	sshll.u32 s1, $0x1  }
0x7: {  	s12 =	simm.s32 $0x0;
	s3 =	sadd.s32 $0xC000, s8;
	s5 =	sor.u32 s6, s5  }
.Ltmp0:
0x8: {  	[sflag:s4] =	ssyncpa.u1 $0x0;
	p0 =	slt.u32 s5, $0x9;
	(pc) =	sbr.rel .LBB2_1-.Ltmp0, $4  }
0x9: {  	s6 =	simm.s32 $0x2;
	s7 =	simm.s32 @!p0 $0x0;
	p0 =	sne.s32 s5, $0x8  }
0xa: {  	[sflag:s6] =	ssyncpa.u1 $0x0;
	s5 =	smul.u32 $0x780, s5;
	s9 =	simm.s32 @!p0 $0x0  }
0xb: {  	s8 =	sadd.s32 $0xE600, s8;
	[sflag:s10] =	ssyncpa.u1 $0x0;
	s7 =	sadd.s32 s9, s7  }
0xc: {  	vm0 =	vmmov $0xffff;
	s10 =	simm.s32 $0x0;
	s11 =	smov.u32 s5;
	s9 =	sadd.s32 $0x1, s7  }
.LBB2_4:
0xd: {  	v2 =	vnsel vm1, $0x0, v2  }
0xe: {  	vm1 =	vgt.s32 v0, $0x0;
	v2 =	vmin.u32 v2, $0x1869F  }
0xf: {  	v0 =	vnsel vm1, $0x0, v0  }
0x10: {  	v0 =	vmin.u32 v0, $0x1869F  }
0x11: {  	[tilespmem:s18], [sflag:$0x1] =	stream.indirect_vreg.gather [hbm4b:s2+s10], $0x1, v1, vm0, $0x4038;
	[tilespmem:$0x1E00] =	vst v63  }
0x12: {  	(ifvalue) =	ssetifvalue $0x7FFFFFFF  }
0x13: {  	[tilespmem:s15], [sflag:$0x1] =	stream.indirect_vreg.gather [hbm4b:s2+s10], $0x1, v2, vm0, $0x4038;
	[tilespmem:$0x1E00] =	vst v63  }
0x14: {  	s29 =	sadd.s32 $0x10, s15;
	(ifvalue) =	ssetifvalue $0x7FFFFFFF  }
0x15: {  	[tilespmem:s29], [sflag:$0x1] =	stream.indirect_vreg.gather [hbm4b:s2+s10], $0x1, v0, vm0, $0x4038;
	[tilespmem:$0x1E00] =	vst v63  }
0x16: {  	_ =	swait.ge [sflag:s4], $0x780  }
0x17: {  	s30 =	sshrl.u32 s13, $0x3;
	[sflag:s4] =	ssyncset.done $0x0  }
0x18: {  	s31 =	sand.u32 $0x7, s13;
	s15 =	sadd.s32 s8, s30;
	[sflag:s4] =	ssyncadd.s32 $0xFFFFF880  }
0x19: {  	[hbm4b:s15+s31] =	stream.linear.scatter [tilespmem:s14], [sflag:$0x3], $0x780, $0x38;
	[tilespmem:$0x1E00] =	vst v63  }
.LBB2_5:
0x1a: {  	s15 =	sadd.s32 $0xF000, s11  }
0x1b: {  	p1 =	sgt.s32 s15, $0x12BFF  }
0x1c: {  	s15 =	smov.u32 @p1 s5;
	p1 =	sne.s32 s12, s9  }
.Ltmp1:
0x1d: {  	p0 =	slt.u32 s12, $0x2;
	(pc) =	sbr.rel @!p1 .LBB2_6-.Ltmp1, $4  }
0x1e: {  	s14 =	simm.s32 @!p0 $0x3  }
0x1f: {  	_ =	swait.ge @!p0 [sflag:s14], $0x780  }
0x20: {  	s16 =	sadd.s32 $0x1, s12;
	s13 =	smov.u32 s11;
	[sflag:s14] =	ssyncset.done @!p0 $0x0  }
0x21: {  	s12 =	smov.u32 s16;
	s11 =	smov.u32 s15;
	[sflag:s14] =	ssyncadd.s32 @!p0 $0xFFFFF880  }
.LBB2_1:
0x22: {  	p0 =	sge.u32 s12, s7  }
0x23: {  	s14 =	sxor.u32 @!p0 $0x1, s12  }
0x24: {  	s14 =	smul.u32 @!p0 $0x1E00, s14  }
0x25: {  	s31 =	sadd.s32 $0xFFFFFFFF, s12;
	s15 =	sshrl.u32 @!p0 s11, $0x3  }
0x26: {  	s16 =	sand.u32 @!p0 $0x7, s11;
	s15 =	sadd.s32 @!p0 s3, s15;
	s14 =	sshra.s32 @!p0 s14, $0x2  }
0x27: {  	[tilespmem:s14], [sflag:$0x2] =	stream.linear.gather @!p0 [hbm4b:s15+s16], $0x780, $0x38;
	[tilespmem:$0x1E00] =	vst v63  }
0x28: {  	p0 =	sge.u32 s31, s7  }
.Ltmp2:
0x29: {  	_ = 	snop;
	(pc) =	sbr.rel @p0 .LBB2_5-.Ltmp2, $1  }
0x2a: {  	_ =	sdelay $0x3  }
0x2b: {  	s14 =	sand.u32 $0x1, s12  }
0x2c: {  	_ =	swait.ge [sflag:s6], $0x780;
	p0 =	seq.s32 s14, $0x1;
	s14 =	simm.s32 $0x780  }
0x2d: {  	[sflag:s6] =	ssyncset.done $0x0;
	s14 =	simm.s32 @!p0 $0x0  }
0x2e: {  	[sflag:s6] =	ssyncadd.s32 $0xFFFFF880;
	(ifvalue) =	ssetifvalue $0x7FFFFFFF;
	v0 =	vld.msk [tilespmem:s14+$0x0 ss:$0x1], $0xffff;
	_ =	sdelay $0x4  }
0x2f: {  	s15 =	sadd.s32 $0x10, s14;
	vm1 =	vgt.s32 v0, $0x0  }
0x30: {  	v2 =	vld.msk [tilespmem:s15+$0x0 ss:$0x1], $0xffff;
	v1 =	vnsel vm1, $0x0, v0  }
0x31: {  	v1 =	vmin.u32 v1, $0x1869F;
	_ =	sdelay $0x2  }
0x32: {  	s17 =	simm.s32 $0x20;
	s14 =	sadd.s32 $0xF00, s14;
	s16 =	sadd.s32 $0x10, s15  }
0x33: {  	s15 =	sadd.s32 $0x10, s14;
	s18 =	smov.u32 s14;
	v0 =	vld.msk [tilespmem:s16+$0x0 ss:$0x1], $0xffff;
	vm1 =	vgt.s32 v2, $0x0;
	(ifvalue) =	ssetifvalue $0x7FFFFFFF  }
.LBB2_3:
0x34: {  	[tilespmem:s18], [sflag:$0x1] =	stream.indirect_vreg.gather [hbm4b:s2+s10], $0x1, v1, vm0, $0x4038;
	[tilespmem:$0x1E00] =	vst v63  }
0x35: {  	s17 =	sadd.s32 $0x10, s17  }
0x36: {  	v2 =	vnsel vm1, $0x0, v2;
	p0 =	slt.u32 s17, $0x770  }
.Ltmp3:
0x37: {  	s18 =	smov.u32 s15;
	v1 =	vmin.u32 v2, $0x1869F;
	(pc) =	sbr.rel @p0 .LBB2_3-.Ltmp3, $3  }
0x38: {  	_ =	sdelay $0x1  }
0x39: {  	s16 =	sadd.s32 $0x10, s16  }
0x3a: {  	vm1 =	vgt.s32 v0, $0x0;
	s15 =	sadd.s32 $0x10, s15;
	v2 =	vmov v0;
	(ifvalue) =	ssetifvalue $0x7FFFFFFF;
	v0 =	vld.msk [tilespmem:s16+$0x0 ss:$0x1], $0xffff  }
.Ltmp4:
0x3b: {  	_ = 	snop;
	(pc) =	sbr.rel .LBB2_4-.Ltmp4, $1  }
0x3c: {  	_ =	sdelay $0x3  }
.LBB2_6:
0x3d: {  	_ =	sfence.sel $0x180000  }
0x3e: {  	s2 =	simm.s32 $0x2;
	[bflag:$0x0] =	sbarrier.arrive $0xFFFF  }
0x3f: {  	s30 =	simm.s32 $0x3;
	[sflag:s2] =	ssyncpa.u1 $0x1  }
0x40: {  	s31 =	simm.s32 $0x1;
	[sflag:s30] =	ssyncpa.u1 $0x1  }
0x41: {  	[sflag:s31] =	ssyncpa.u1 $0x1  }
0x42: {  	p0 =	sne.s32 s1, $0x0;
	_ =	strace $0x90000047  }
0x43: {  	s0 =	sadd.s32 @!p0 $0x100000, s0;
	[bflag:$0x2] =	sbarrier.arrive $0xFFFF  }
0x44: {  	[sflag:s0] =	ssyncadd.tile.s32 @!p0 $0x1;
	_ =	shalt  }
.Lfunc_end2:
_tile_overlayer_lowered:
.L_overlay_start_2:
0x45: {  	(tag) =	ssettag $0x2  }
0x46: {  	s0 =	rddreg [dreg:$0x0];
	s2 =	stileid.u32  }
0x47: {  	s1 =	rddreg [dreg:$0x1];
	p0 =	sne.s32 s2, $0x0  }
0x48: {  	s3 =	rddreg [dreg:$0x2];
	[bflag:$0x3] =	sbarrier.arrive $0xFFFF;
	s2 =	simm.s32 @!p0 $0x1C01  }
0x49: {  	[timem:s3], [sflag:s2] =	dma.local @!p0 [hbm:s0], s1  }
0x4a: {  	s0 =	simm.s32 @!p0 $0x1  }
0x4b: {  	_ =	swait.ge @!p0 [sflag:s0], s1  }
0x4c: {  	s1 =	ssub.s32 @!p0 $0x0, s1;
	[sflag:s0] =	ssyncset.done @!p0 $0x0  }
0x4d: {  	[sflag:s0] =	ssyncadd.s32 @!p0 s1  }
0x4e: {  	[bflag:$0x3] =	sbarrier.arrive $0xFFFF  }
0x4f: {  	_ =	shalt  }

</sc_bundles>
